<compile_context>
chip_gen: v7x
topology: tpu7x:2x2x1
jax: 0.10.2.dev20260603
libtpu: 0.0.44.dev20260713+nightly
codegen_flags: <defaults>
</compile_context>

<pallas_src>
import functools

import jax
import jax.numpy as jnp
from jax import lax
from jax.experimental import pallas as pl
from jax.experimental.pallas import tpu as pltpu
from jax.experimental.pallas import tpu_sc as plsc

BATCH = 1024
SEQ = 50
NUM_ROWS = BATCH * SEQ
DIM = 128

_info = plsc.get_sparse_core_info()
NUM_CORES = _info.num_cores
NUM_SUBCORES = _info.num_subcores
NUM_WORKERS = NUM_CORES * NUM_SUBCORES

PER_WORKER = NUM_ROWS // NUM_WORKERS
CHUNK = 200
NUM_CHUNKS = PER_WORKER // CHUNK
NBUF = 4

_mesh = plsc.VectorSubcoreMesh(core_axis_name="c", subcore_axis_name="s")

_scratch = (
    [pltpu.VMEM((PER_WORKER,), jnp.int32)]
    + [pltpu.VMEM((CHUNK, DIM), jnp.float32) for _ in range(NBUF)]
    + [pltpu.SemaphoreType.DMA for _ in range(NBUF)]
)


@functools.partial(
    pl.kernel,
    mesh=_mesh,
    out_type=jax.ShapeDtypeStruct((NUM_ROWS, DIM), jnp.float32),
    scratch_types=_scratch,
)
def _gather(idx_hbm, table_hbm, out_hbm, idx_v, *bufs_and_sems):
    rows = bufs_and_sems[:NBUF]
    sems = bufs_and_sems[NBUF:]
    wid = lax.axis_index("s") * NUM_CORES + lax.axis_index("c")
    base = wid * PER_WORKER

    pltpu.sync_copy(idx_hbm.at[pl.ds(base, PER_WORKER)], idx_v)

    gathers = [None] * NUM_CHUNKS
    scatters = [None] * NUM_CHUNKS
    for c in range(NBUF):
        gathers[c] = pltpu.async_copy(
            table_hbm.at[idx_v.at[pl.ds(c * CHUNK, CHUNK)]], rows[c], sems[c]
        )
    for c in range(NUM_CHUNKS):
        b = c % NBUF
        gathers[c].wait()
        scatters[c] = pltpu.async_copy(
            rows[b], out_hbm.at[pl.ds(base + c * CHUNK, CHUNK)], sems[b]
        )
        nc = c + NBUF
        if nc < NUM_CHUNKS:
            scatters[c].wait()
            gathers[nc] = pltpu.async_copy(
                table_hbm.at[idx_v.at[pl.ds(nc * CHUNK, CHUNK)]], rows[b], sems[b]
            )
    for c in range(NUM_CHUNKS - NBUF, NUM_CHUNKS):
        scatters[c].wait()


def kernel(symbol_indices, table):
    idx_t = symbol_indices.astype(jnp.int32).T.reshape(-1)
    out = _gather(idx_t, table)
    return out.reshape(SEQ, BATCH, DIM).transpose(1, 0, 2)

# --- scband reference (transcript-rebuilt; emitter-appended) ---
"""Pipeline reference for scband-symbol-embeddings-7275674599920 (READ-ONLY COPY).

The authoritative reference and input builder live on the scoring server;
editing this copy changes nothing except your own understanding.
"""

import jax, jax.numpy as jnp
import numpy as np

NUM_SYMBOLS = 100000
EMBED_DIM = 128
PADDING_IDX = 0


def setup_inputs(seed: int = 0) -> dict:
    key = jax.random.key(seed)
    k_idx, k_tbl = jax.random.split(key)
    symbol_indices = jax.random.randint(k_idx, (1024, 50), 0, NUM_SYMBOLS, dtype=jnp.int64 if jax.config.jax_enable_x64 else jnp.int32)
    table = jax.random.normal(k_tbl, (NUM_SYMBOLS, EMBED_DIM), dtype=jnp.float32)
    # torch nn.Embedding with padding_idx initializes the padding row to zero
    table = table.at[PADDING_IDX].set(0.0)
    return {"symbol_indices": symbol_indices, "table": table}


def reference(symbol_indices, table):
    # SymbolEmbeddings.forward: self.embedding(symbol_indices)
    return jnp.take(table, symbol_indices, axis=0)

if __name__ == "__main__":
    import jax
    _d = setup_inputs()
    print(jax.jit(kernel)(*tuple(_d.values())))

</pallas_src>

<mosaic_0001>
#map = affine_map<(d0, d1) -> (0)>
#map1 = affine_map<(d0, d1) -> (0, 0)>
module attributes {stable_mosaic.version = 14 : i64} {
  func.func @_gather(%arg0: i32, %arg1: i32, %arg2: memref<51200xi32, #tpu.memory_space<hbm>>, %arg3: memref<100000x128xf32, #tpu.memory_space<hbm>>, %arg4: memref<51200x128xf32, #tpu.memory_space<hbm>>, %arg5: memref<1600xi32, #tpu.memory_space<vmem>>, %arg6: memref<200x128xf32, #tpu.memory_space<vmem>>, %arg7: memref<200x128xf32, #tpu.memory_space<vmem>>, %arg8: memref<200x128xf32, #tpu.memory_space<vmem>>, %arg9: memref<200x128xf32, #tpu.memory_space<vmem>>, %arg10: memref<!tpu.dma_semaphore, #tpu.memory_space<semaphore_mem>>, %arg11: memref<!tpu.dma_semaphore, #tpu.memory_space<semaphore_mem>>, %arg12: memref<!tpu.dma_semaphore, #tpu.memory_space<semaphore_mem>>, %arg13: memref<!tpu.dma_semaphore, #tpu.memory_space<semaphore_mem>>) attributes {dimension_semantics = [#tpu.dimension_semantics<core_parallel>, #tpu.dimension_semantics<subcore_parallel>], iteration_bounds = array<i64: 2, 16>, scalar_prefetch = 0 : i64, scratch_operands = 9 : i64, tpu.core_type = #tpu.core_type<sc_vector_subcore>, window_params = [{transform_indices = #map}, {transform_indices = #map1}, {transform_indices = #map1}]} {
    %mul3A = arith.constant 2 : i32
    %mul3A_0 = arith.muli %arg1, %mul3A : i32
    %add3A = arith.addi %mul3A_0, %arg0 : i32
    %mul3A_1 = arith.constant 1600 : i32
    %mul3A_2 = arith.muli %add3A, %mul3A_1 : i32
    "tpu.region"() ({
      %run_scoped3A = tpu.sem_alloc : memref<!tpu.dma_semaphore, #tpu.memory_space<semaphore_mem>>
      %dma_start3A_161 = tpu.memref_slice %arg2[%mul3A_2] : memref<51200xi32, #tpu.memory_space<hbm>> -> memref<1600xi32, #tpu.memory_space<hbm>>
      %dma_start3A_162 = tpu.memref_slice %arg2[%mul3A_2] : memref<51200xi32, #tpu.memory_space<hbm>> -> memref<1600xi32, #tpu.memory_space<hbm>>
      tpu.enqueue_dma source(%dma_start3A_162 : memref<1600xi32, #tpu.memory_space<hbm>>) target(%arg5 : memref<1600xi32, #tpu.memory_space<vmem>>) target_semaphore(%run_scoped3A : memref<!tpu.dma_semaphore, #tpu.memory_space<semaphore_mem>>)
      %dma_wait3A_163 = tpu.memref_slice %arg2[%mul3A_2] : memref<51200xi32, #tpu.memory_space<hbm>> -> memref<1600xi32, #tpu.memory_space<hbm>>
      %dma_wait3A_164 = tpu.memref_slice %arg2[%mul3A_2] : memref<51200xi32, #tpu.memory_space<hbm>> -> memref<1600xi32, #tpu.memory_space<hbm>>
      tpu.wait_dma2 semaphore(%run_scoped3A : memref<!tpu.dma_semaphore, #tpu.memory_space<semaphore_mem>>) src(%dma_wait3A_164 : memref<1600xi32, #tpu.memory_space<hbm>>) dst(%arg5 : memref<1600xi32, #tpu.memory_space<vmem>>)
      tpu.yield
    }) : () -> ()
    %dma_start3A = arith.constant 0 : i32
    %dma_start3A_3 = tpu.memref_slice %arg5[%dma_start3A] : memref<1600xi32, #tpu.memory_space<vmem>> -> memref<200xi32, #tpu.memory_space<vmem>>
    %dma_start3A_4 = arith.constant 0 : i32
    %dma_start3A_5 = arith.constant 0 : i32
    %dma_start3A_6 = tpu.memref_slice %arg3[%dma_start3A_4, %dma_start3A_5] : memref<100000x128xf32, #tpu.memory_space<hbm>> -> memref<100000x128xf32, #tpu.memory_space<hbm>>
    tpu.enqueue_indirect_dma source(%dma_start3A_6 : memref<100000x128xf32, #tpu.memory_space<hbm>>) target(%arg6 : memref<200x128xf32, #tpu.memory_space<vmem>>) offsets(%dma_start3A_3 : memref<200xi32, #tpu.memory_space<vmem>>) semaphore(%arg10 : memref<!tpu.dma_semaphore, #tpu.memory_space<semaphore_mem>>)
    %dma_start3A_7 = arith.constant 200 : i32
    %dma_start3A_8 = tpu.memref_slice %arg5[%dma_start3A_7] : memref<1600xi32, #tpu.memory_space<vmem>> -> memref<200xi32, #tpu.memory_space<vmem>>
    %dma_start3A_9 = arith.constant 0 : i32
    %dma_start3A_10 = arith.constant 0 : i32
    %dma_start3A_11 = tpu.memref_slice %arg3[%dma_start3A_9, %dma_start3A_10] : memref<100000x128xf32, #tpu.memory_space<hbm>> -> memref<100000x128xf32, #tpu.memory_space<hbm>>
    tpu.enqueue_indirect_dma source(%dma_start3A_11 : memref<100000x128xf32, #tpu.memory_space<hbm>>) target(%arg7 : memref<200x128xf32, #tpu.memory_space<vmem>>) offsets(%dma_start3A_8 : memref<200xi32, #tpu.memory_space<vmem>>) semaphore(%arg11 : memref<!tpu.dma_semaphore, #tpu.memory_space<semaphore_mem>>)
    %dma_start3A_12 = arith.constant 400 : i32
    %dma_start3A_13 = tpu.memref_slice %arg5[%dma_start3A_12] : memref<1600xi32, #tpu.memory_space<vmem>> -> memref<200xi32, #tpu.memory_space<vmem>>
    %dma_start3A_14 = arith.constant 0 : i32
    %dma_start3A_15 = arith.constant 0 : i32
    %dma_start3A_16 = tpu.memref_slice %arg3[%dma_start3A_14, %dma_start3A_15] : memref<100000x128xf32, #tpu.memory_space<hbm>> -> memref<100000x128xf32, #tpu.memory_space<hbm>>
    tpu.enqueue_indirect_dma source(%dma_start3A_16 : memref<100000x128xf32, #tpu.memory_space<hbm>>) target(%arg8 : memref<200x128xf32, #tpu.memory_space<vmem>>) offsets(%dma_start3A_13 : memref<200xi32, #tpu.memory_space<vmem>>) semaphore(%arg12 : memref<!tpu.dma_semaphore, #tpu.memory_space<semaphore_mem>>)
    %dma_start3A_17 = arith.constant 600 : i32
    %dma_start3A_18 = tpu.memref_slice %arg5[%dma_start3A_17] : memref<1600xi32, #tpu.memory_space<vmem>> -> memref<200xi32, #tpu.memory_space<vmem>>
    %dma_start3A_19 = arith.constant 0 : i32
    %dma_start3A_20 = arith.constant 0 : i32
    %dma_start3A_21 = tpu.memref_slice %arg3[%dma_start3A_19, %dma_start3A_20] : memref<100000x128xf32, #tpu.memory_space<hbm>> -> memref<100000x128xf32, #tpu.memory_space<hbm>>
    tpu.enqueue_indirect_dma source(%dma_start3A_21 : memref<100000x128xf32, #tpu.memory_space<hbm>>) target(%arg9 : memref<200x128xf32, #tpu.memory_space<vmem>>) offsets(%dma_start3A_18 : memref<200xi32, #tpu.memory_space<vmem>>) semaphore(%arg13 : memref<!tpu.dma_semaphore, #tpu.memory_space<semaphore_mem>>)
    %dma_wait3A = arith.constant 0 : i32
    %dma_wait3A_22 = tpu.memref_slice %arg5[%dma_wait3A] : memref<1600xi32, #tpu.memory_space<vmem>> -> memref<200xi32, #tpu.memory_space<vmem>>
    %dma_wait3A_23 = arith.constant 0 : i32
    %dma_wait3A_24 = arith.constant 0 : i32
    %dma_wait3A_25 = tpu.memref_slice %arg3[%dma_wait3A_23, %dma_wait3A_24] : memref<100000x128xf32, #tpu.memory_space<hbm>> -> memref<100000x128xf32, #tpu.memory_space<hbm>>
    tpu.wait_indirect_dma semaphore(%arg10 : memref<!tpu.dma_semaphore, #tpu.memory_space<semaphore_mem>>) src(%dma_wait3A_25 : memref<100000x128xf32, #tpu.memory_space<hbm>>) dst(%arg6 : memref<200x128xf32, #tpu.memory_space<vmem>>)
    %add3A_26 = arith.constant 0 : i32
    %add3A_27 = arith.addi %mul3A_2, %add3A_26 : i32
    %dma_start3A_28 = arith.constant 0 : i32
    %dma_start3A_29 = tpu.memref_slice %arg4[%add3A_27, %dma_start3A_28] : memref<51200x128xf32, #tpu.memory_space<hbm>> -> memref<200x128xf32, #tpu.memory_space<hbm>>
    %dma_start3A_30 = arith.constant 0 : i32
    %dma_start3A_31 = tpu.memref_slice %arg4[%add3A_27, %dma_start3A_30] : memref<51200x128xf32, #tpu.memory_space<hbm>> -> memref<200x128xf32, #tpu.memory_space<hbm>>
    tpu.enqueue_dma source(%arg6 : memref<200x128xf32, #tpu.memory_space<vmem>>) target(%dma_start3A_31 : memref<200x128xf32, #tpu.memory_space<hbm>>) target_semaphore(%arg10 : memref<!tpu.dma_semaphore, #tpu.memory_space<semaphore_mem>>)
    %dma_wait3A_32 = arith.constant 0 : i32
    %dma_wait3A_33 = tpu.memref_slice %arg4[%add3A_27, %dma_wait3A_32] : memref<51200x128xf32, #tpu.memory_space<hbm>> -> memref<200x128xf32, #tpu.memory_space<hbm>>
    %dma_wait3A_34 = arith.constant 0 : i32
    %dma_wait3A_35 = tpu.memref_slice %arg4[%add3A_27, %dma_wait3A_34] : memref<51200x128xf32, #tpu.memory_space<hbm>> -> memref<200x128xf32, #tpu.memory_space<hbm>>
    tpu.wait_dma2 semaphore(%arg10 : memref<!tpu.dma_semaphore, #tpu.memory_space<semaphore_mem>>) src(%arg6 : memref<200x128xf32, #tpu.memory_space<vmem>>) dst(%dma_wait3A_35 : memref<200x128xf32, #tpu.memory_space<hbm>>)
    %dma_start3A_36 = arith.constant 800 : i32
    %dma_start3A_37 = tpu.memref_slice %arg5[%dma_start3A_36] : memref<1600xi32, #tpu.memory_space<vmem>> -> memref<200xi32, #tpu.memory_space<vmem>>
    %dma_start3A_38 = arith.constant 0 : i32
    %dma_start3A_39 = arith.constant 0 : i32
    %dma_start3A_40 = tpu.memref_slice %arg3[%dma_start3A_38, %dma_start3A_39] : memref<100000x128xf32, #tpu.memory_space<hbm>> -> memref<100000x128xf32, #tpu.memory_space<hbm>>
    tpu.enqueue_indirect_dma source(%dma_start3A_40 : memref<100000x128xf32, #tpu.memory_space<hbm>>) target(%arg6 : memref<200x128xf32, #tpu.memory_space<vmem>>) offsets(%dma_start3A_37 : memref<200xi32, #tpu.memory_space<vmem>>) semaphore(%arg10 : memref<!tpu.dma_semaphore, #tpu.memory_space<semaphore_mem>>)
    %dma_wait3A_41 = arith.constant 200 : i32
    %dma_wait3A_42 = tpu.memref_slice %arg5[%dma_wait3A_41] : memref<1600xi32, #tpu.memory_space<vmem>> -> memref<200xi32, #tpu.memory_space<vmem>>
    %dma_wait3A_43 = arith.constant 0 : i32
    %dma_wait3A_44 = arith.constant 0 : i32
    %dma_wait3A_45 = tpu.memref_slice %arg3[%dma_wait3A_43, %dma_wait3A_44] : memref<100000x128xf32, #tpu.memory_space<hbm>> -> memref<100000x128xf32, #tpu.memory_space<hbm>>
    tpu.wait_indirect_dma semaphore(%arg11 : memref<!tpu.dma_semaphore, #tpu.memory_space<semaphore_mem>>) src(%dma_wait3A_45 : memref<100000x128xf32, #tpu.memory_space<hbm>>) dst(%arg7 : memref<200x128xf32, #tpu.memory_space<vmem>>)
    %add3A_46 = arith.constant 200 : i32
    %add3A_47 = arith.addi %mul3A_2, %add3A_46 : i32
    %dma_start3A_48 = arith.constant 0 : i32
    %dma_start3A_49 = tpu.memref_slice %arg4[%add3A_47, %dma_start3A_48] : memref<51200x128xf32, #tpu.memory_space<hbm>> -> memref<200x128xf32, #tpu.memory_space<hbm>>
    %dma_start3A_50 = arith.constant 0 : i32
    %dma_start3A_51 = tpu.memref_slice %arg4[%add3A_47, %dma_start3A_50] : memref<51200x128xf32, #tpu.memory_space<hbm>> -> memref<200x128xf32, #tpu.memory_space<hbm>>
    tpu.enqueue_dma source(%arg7 : memref<200x128xf32, #tpu.memory_space<vmem>>) target(%dma_start3A_51 : memref<200x128xf32, #tpu.memory_space<hbm>>) target_semaphore(%arg11 : memref<!tpu.dma_semaphore, #tpu.memory_space<semaphore_mem>>)
    %dma_wait3A_52 = arith.constant 0 : i32
    %dma_wait3A_53 = tpu.memref_slice %arg4[%add3A_47, %dma_wait3A_52] : memref<51200x128xf32, #tpu.memory_space<hbm>> -> memref<200x128xf32, #tpu.memory_space<hbm>>
    %dma_wait3A_54 = arith.constant 0 : i32
    %dma_wait3A_55 = tpu.memref_slice %arg4[%add3A_47, %dma_wait3A_54] : memref<51200x128xf32, #tpu.memory_space<hbm>> -> memref<200x128xf32, #tpu.memory_space<hbm>>
    tpu.wait_dma2 semaphore(%arg11 : memref<!tpu.dma_semaphore, #tpu.memory_space<semaphore_mem>>) src(%arg7 : memref<200x128xf32, #tpu.memory_space<vmem>>) dst(%dma_wait3A_55 : memref<200x128xf32, #tpu.memory_space<hbm>>)
    %dma_start3A_56 = arith.constant 1000 : i32
    %dma_start3A_57 = tpu.memref_slice %arg5[%dma_start3A_56] : memref<1600xi32, #tpu.memory_space<vmem>> -> memref<200xi32, #tpu.memory_space<vmem>>
    %dma_start3A_58 = arith.constant 0 : i32
    %dma_start3A_59 = arith.constant 0 : i32
    %dma_start3A_60 = tpu.memref_slice %arg3[%dma_start3A_58, %dma_start3A_59] : memref<100000x128xf32, #tpu.memory_space<hbm>> -> memref<100000x128xf32, #tpu.memory_space<hbm>>
    tpu.enqueue_indirect_dma source(%dma_start3A_60 : memref<100000x128xf32, #tpu.memory_space<hbm>>) target(%arg7 : memref<200x128xf32, #tpu.memory_space<vmem>>) offsets(%dma_start3A_57 : memref<200xi32, #tpu.memory_space<vmem>>) semaphore(%arg11 : memref<!tpu.dma_semaphore, #tpu.memory_space<semaphore_mem>>)
    %dma_wait3A_61 = arith.constant 400 : i32
    %dma_wait3A_62 = tpu.memref_slice %arg5[%dma_wait3A_61] : memref<1600xi32, #tpu.memory_space<vmem>> -> memref<200xi32, #tpu.memory_space<vmem>>
    %dma_wait3A_63 = arith.constant 0 : i32
    %dma_wait3A_64 = arith.constant 0 : i32
    %dma_wait3A_65 = tpu.memref_slice %arg3[%dma_wait3A_63, %dma_wait3A_64] : memref<100000x128xf32, #tpu.memory_space<hbm>> -> memref<100000x128xf32, #tpu.memory_space<hbm>>
    tpu.wait_indirect_dma semaphore(%arg12 : memref<!tpu.dma_semaphore, #tpu.memory_space<semaphore_mem>>) src(%dma_wait3A_65 : memref<100000x128xf32, #tpu.memory_space<hbm>>) dst(%arg8 : memref<200x128xf32, #tpu.memory_space<vmem>>)
    %add3A_66 = arith.constant 400 : i32
    %add3A_67 = arith.addi %mul3A_2, %add3A_66 : i32
    %dma_start3A_68 = arith.constant 0 : i32
    %dma_start3A_69 = tpu.memref_slice %arg4[%add3A_67, %dma_start3A_68] : memref<51200x128xf32, #tpu.memory_space<hbm>> -> memref<200x128xf32, #tpu.memory_space<hbm>>
    %dma_start3A_70 = arith.constant 0 : i32
    %dma_start3A_71 = tpu.memref_slice %arg4[%add3A_67, %dma_start3A_70] : memref<51200x128xf32, #tpu.memory_space<hbm>> -> memref<200x128xf32, #tpu.memory_space<hbm>>
    tpu.enqueue_dma source(%arg8 : memref<200x128xf32, #tpu.memory_space<vmem>>) target(%dma_start3A_71 : memref<200x128xf32, #tpu.memory_space<hbm>>) target_semaphore(%arg12 : memref<!tpu.dma_semaphore, #tpu.memory_space<semaphore_mem>>)
    %dma_wait3A_72 = arith.constant 0 : i32
    %dma_wait3A_73 = tpu.memref_slice %arg4[%add3A_67, %dma_wait3A_72] : memref<51200x128xf32, #tpu.memory_space<hbm>> -> memref<200x128xf32, #tpu.memory_space<hbm>>
    %dma_wait3A_74 = arith.constant 0 : i32
    %dma_wait3A_75 = tpu.memref_slice %arg4[%add3A_67, %dma_wait3A_74] : memref<51200x128xf32, #tpu.memory_space<hbm>> -> memref<200x128xf32, #tpu.memory_space<hbm>>
    tpu.wait_dma2 semaphore(%arg12 : memref<!tpu.dma_semaphore, #tpu.memory_space<semaphore_mem>>) src(%arg8 : memref<200x128xf32, #tpu.memory_space<vmem>>) dst(%dma_wait3A_75 : memref<200x128xf32, #tpu.memory_space<hbm>>)
    %dma_start3A_76 = arith.constant 1200 : i32
    %dma_start3A_77 = tpu.memref_slice %arg5[%dma_start3A_76] : memref<1600xi32, #tpu.memory_space<vmem>> -> memref<200xi32, #tpu.memory_space<vmem>>
    %dma_start3A_78 = arith.constant 0 : i32
    %dma_start3A_79 = arith.constant 0 : i32
    %dma_start3A_80 = tpu.memref_slice %arg3[%dma_start3A_78, %dma_start3A_79] : memref<100000x128xf32, #tpu.memory_space<hbm>> -> memref<100000x128xf32, #tpu.memory_space<hbm>>
    tpu.enqueue_indirect_dma source(%dma_start3A_80 : memref<100000x128xf32, #tpu.memory_space<hbm>>) target(%arg8 : memref<200x128xf32, #tpu.memory_space<vmem>>) offsets(%dma_start3A_77 : memref<200xi32, #tpu.memory_space<vmem>>) semaphore(%arg12 : memref<!tpu.dma_semaphore, #tpu.memory_space<semaphore_mem>>)
    %dma_wait3A_81 = arith.constant 600 : i32
    %dma_wait3A_82 = tpu.memref_slice %arg5[%dma_wait3A_81] : memref<1600xi32, #tpu.memory_space<vmem>> -> memref<200xi32, #tpu.memory_space<vmem>>
    %dma_wait3A_83 = arith.constant 0 : i32
    %dma_wait3A_84 = arith.constant 0 : i32
    %dma_wait3A_85 = tpu.memref_slice %arg3[%dma_wait3A_83, %dma_wait3A_84] : memref<100000x128xf32, #tpu.memory_space<hbm>> -> memref<100000x128xf32, #tpu.memory_space<hbm>>
    tpu.wait_indirect_dma semaphore(%arg13 : memref<!tpu.dma_semaphore, #tpu.memory_space<semaphore_mem>>) src(%dma_wait3A_85 : memref<100000x128xf32, #tpu.memory_space<hbm>>) dst(%arg9 : memref<200x128xf32, #tpu.memory_space<vmem>>)
    %add3A_86 = arith.constant 600 : i32
    %add3A_87 = arith.addi %mul3A_2, %add3A_86 : i32
    %dma_start3A_88 = arith.constant 0 : i32
    %dma_start3A_89 = tpu.memref_slice %arg4[%add3A_87, %dma_start3A_88] : memref<51200x128xf32, #tpu.memory_space<hbm>> -> memref<200x128xf32, #tpu.memory_space<hbm>>
    %dma_start3A_90 = arith.constant 0 : i32
    %dma_start3A_91 = tpu.memref_slice %arg4[%add3A_87, %dma_start3A_90] : memref<51200x128xf32, #tpu.memory_space<hbm>> -> memref<200x128xf32, #tpu.memory_space<hbm>>
    tpu.enqueue_dma source(%arg9 : memref<200x128xf32, #tpu.memory_space<vmem>>) target(%dma_start3A_91 : memref<200x128xf32, #tpu.memory_space<hbm>>) target_semaphore(%arg13 : memref<!tpu.dma_semaphore, #tpu.memory_space<semaphore_mem>>)
    %dma_wait3A_92 = arith.constant 0 : i32
    %dma_wait3A_93 = tpu.memref_slice %arg4[%add3A_87, %dma_wait3A_92] : memref<51200x128xf32, #tpu.memory_space<hbm>> -> memref<200x128xf32, #tpu.memory_space<hbm>>
    %dma_wait3A_94 = arith.constant 0 : i32
    %dma_wait3A_95 = tpu.memref_slice %arg4[%add3A_87, %dma_wait3A_94] : memref<51200x128xf32, #tpu.memory_space<hbm>> -> memref<200x128xf32, #tpu.memory_space<hbm>>
    tpu.wait_dma2 semaphore(%arg13 : memref<!tpu.dma_semaphore, #tpu.memory_space<semaphore_mem>>) src(%arg9 : memref<200x128xf32, #tpu.memory_space<vmem>>) dst(%dma_wait3A_95 : memref<200x128xf32, #tpu.memory_space<hbm>>)
    %dma_start3A_96 = arith.constant 1400 : i32
    %dma_start3A_97 = tpu.memref_slice %arg5[%dma_start3A_96] : memref<1600xi32, #tpu.memory_space<vmem>> -> memref<200xi32, #tpu.memory_space<vmem>>
    %dma_start3A_98 = arith.constant 0 : i32
    %dma_start3A_99 = arith.constant 0 : i32
    %dma_start3A_100 = tpu.memref_slice %arg3[%dma_start3A_98, %dma_start3A_99] : memref<100000x128xf32, #tpu.memory_space<hbm>> -> memref<100000x128xf32, #tpu.memory_space<hbm>>
    tpu.enqueue_indirect_dma source(%dma_start3A_100 : memref<100000x128xf32, #tpu.memory_space<hbm>>) target(%arg9 : memref<200x128xf32, #tpu.memory_space<vmem>>) offsets(%dma_start3A_97 : memref<200xi32, #tpu.memory_space<vmem>>) semaphore(%arg13 : memref<!tpu.dma_semaphore, #tpu.memory_space<semaphore_mem>>)
    %dma_wait3A_101 = arith.constant 800 : i32
    %dma_wait3A_102 = tpu.memref_slice %arg5[%dma_wait3A_101] : memref<1600xi32, #tpu.memory_space<vmem>> -> memref<200xi32, #tpu.memory_space<vmem>>
    %dma_wait3A_103 = arith.constant 0 : i32
    %dma_wait3A_104 = arith.constant 0 : i32
    %dma_wait3A_105 = tpu.memref_slice %arg3[%dma_wait3A_103, %dma_wait3A_104] : memref<100000x128xf32, #tpu.memory_space<hbm>> -> memref<100000x128xf32, #tpu.memory_space<hbm>>
    tpu.wait_indirect_dma semaphore(%arg10 : memref<!tpu.dma_semaphore, #tpu.memory_space<semaphore_mem>>) src(%dma_wait3A_105 : memref<100000x128xf32, #tpu.memory_space<hbm>>) dst(%arg6 : memref<200x128xf32, #tpu.memory_space<vmem>>)
    %add3A_106 = arith.constant 800 : i32
    %add3A_107 = arith.addi %mul3A_2, %add3A_106 : i32
    %dma_start3A_108 = arith.constant 0 : i32
    %dma_start3A_109 = tpu.memref_slice %arg4[%add3A_107, %dma_start3A_108] : memref<51200x128xf32, #tpu.memory_space<hbm>> -> memref<200x128xf32, #tpu.memory_space<hbm>>
    %dma_start3A_110 = arith.constant 0 : i32
    %dma_start3A_111 = tpu.memref_slice %arg4[%add3A_107, %dma_start3A_110] : memref<51200x128xf32, #tpu.memory_space<hbm>> -> memref<200x128xf32, #tpu.memory_space<hbm>>
    tpu.enqueue_dma source(%arg6 : memref<200x128xf32, #tpu.memory_space<vmem>>) target(%dma_start3A_111 : memref<200x128xf32, #tpu.memory_space<hbm>>) target_semaphore(%arg10 : memref<!tpu.dma_semaphore, #tpu.memory_space<semaphore_mem>>)
    %dma_wait3A_112 = arith.constant 1000 : i32
    %dma_wait3A_113 = tpu.memref_slice %arg5[%dma_wait3A_112] : memref<1600xi32, #tpu.memory_space<vmem>> -> memref<200xi32, #tpu.memory_space<vmem>>
    %dma_wait3A_114 = arith.constant 0 : i32
    %dma_wait3A_115 = arith.constant 0 : i32
    %dma_wait3A_116 = tpu.memref_slice %arg3[%dma_wait3A_114, %dma_wait3A_115] : memref<100000x128xf32, #tpu.memory_space<hbm>> -> memref<100000x128xf32, #tpu.memory_space<hbm>>
    tpu.wait_indirect_dma semaphore(%arg11 : memref<!tpu.dma_semaphore, #tpu.memory_space<semaphore_mem>>) src(%dma_wait3A_116 : memref<100000x128xf32, #tpu.memory_space<hbm>>) dst(%arg7 : memref<200x128xf32, #tpu.memory_space<vmem>>)
    %add3A_117 = arith.constant 1000 : i32
    %add3A_118 = arith.addi %mul3A_2, %add3A_117 : i32
    %dma_start3A_119 = arith.constant 0 : i32
    %dma_start3A_120 = tpu.memref_slice %arg4[%add3A_118, %dma_start3A_119] : memref<51200x128xf32, #tpu.memory_space<hbm>> -> memref<200x128xf32, #tpu.memory_space<hbm>>
    %dma_start3A_121 = arith.constant 0 : i32
    %dma_start3A_122 = tpu.memref_slice %arg4[%add3A_118, %dma_start3A_121] : memref<51200x128xf32, #tpu.memory_space<hbm>> -> memref<200x128xf32, #tpu.memory_space<hbm>>
    tpu.enqueue_dma source(%arg7 : memref<200x128xf32, #tpu.memory_space<vmem>>) target(%dma_start3A_122 : memref<200x128xf32, #tpu.memory_space<hbm>>) target_semaphore(%arg11 : memref<!tpu.dma_semaphore, #tpu.memory_space<semaphore_mem>>)
    %dma_wait3A_123 = arith.constant 1200 : i32
    %dma_wait3A_124 = tpu.memref_slice %arg5[%dma_wait3A_123] : memref<1600xi32, #tpu.memory_space<vmem>> -> memref<200xi32, #tpu.memory_space<vmem>>
    %dma_wait3A_125 = arith.constant 0 : i32
    %dma_wait3A_126 = arith.constant 0 : i32
    %dma_wait3A_127 = tpu.memref_slice %arg3[%dma_wait3A_125, %dma_wait3A_126] : memref<100000x128xf32, #tpu.memory_space<hbm>> -> memref<100000x128xf32, #tpu.memory_space<hbm>>
    tpu.wait_indirect_dma semaphore(%arg12 : memref<!tpu.dma_semaphore, #tpu.memory_space<semaphore_mem>>) src(%dma_wait3A_127 : memref<100000x128xf32, #tpu.memory_space<hbm>>) dst(%arg8 : memref<200x128xf32, #tpu.memory_space<vmem>>)
    %add3A_128 = arith.constant 1200 : i32
    %add3A_129 = arith.addi %mul3A_2, %add3A_128 : i32
    %dma_start3A_130 = arith.constant 0 : i32
    %dma_start3A_131 = tpu.memref_slice %arg4[%add3A_129, %dma_start3A_130] : memref<51200x128xf32, #tpu.memory_space<hbm>> -> memref<200x128xf32, #tpu.memory_space<hbm>>
    %dma_start3A_132 = arith.constant 0 : i32
    %dma_start3A_133 = tpu.memref_slice %arg4[%add3A_129, %dma_start3A_132] : memref<51200x128xf32, #tpu.memory_space<hbm>> -> memref<200x128xf32, #tpu.memory_space<hbm>>
    tpu.enqueue_dma source(%arg8 : memref<200x128xf32, #tpu.memory_space<vmem>>) target(%dma_start3A_133 : memref<200x128xf32, #tpu.memory_space<hbm>>) target_semaphore(%arg12 : memref<!tpu.dma_semaphore, #tpu.memory_space<semaphore_mem>>)
    %dma_wait3A_134 = arith.constant 1400 : i32
    %dma_wait3A_135 = tpu.memref_slice %arg5[%dma_wait3A_134] : memref<1600xi32, #tpu.memory_space<vmem>> -> memref<200xi32, #tpu.memory_space<vmem>>
    %dma_wait3A_136 = arith.constant 0 : i32
    %dma_wait3A_137 = arith.constant 0 : i32
    %dma_wait3A_138 = tpu.memref_slice %arg3[%dma_wait3A_136, %dma_wait3A_137] : memref<100000x128xf32, #tpu.memory_space<hbm>> -> memref<100000x128xf32, #tpu.memory_space<hbm>>
    tpu.wait_indirect_dma semaphore(%arg13 : memref<!tpu.dma_semaphore, #tpu.memory_space<semaphore_mem>>) src(%dma_wait3A_138 : memref<100000x128xf32, #tpu.memory_space<hbm>>) dst(%arg9 : memref<200x128xf32, #tpu.memory_space<vmem>>)
    %add3A_139 = arith.constant 1400 : i32
    %add3A_140 = arith.addi %mul3A_2, %add3A_139 : i32
    %dma_start3A_141 = arith.constant 0 : i32
    %dma_start3A_142 = tpu.memref_slice %arg4[%add3A_140, %dma_start3A_141] : memref<51200x128xf32, #tpu.memory_space<hbm>> -> memref<200x128xf32, #tpu.memory_space<hbm>>
    %dma_start3A_143 = arith.constant 0 : i32
    %dma_start3A_144 = tpu.memref_slice %arg4[%add3A_140, %dma_start3A_143] : memref<51200x128xf32, #tpu.memory_space<hbm>> -> memref<200x128xf32, #tpu.memory_space<hbm>>
    tpu.enqueue_dma source(%arg9 : memref<200x128xf32, #tpu.memory_space<vmem>>) target(%dma_start3A_144 : memref<200x128xf32, #tpu.memory_space<hbm>>) target_semaphore(%arg13 : memref<!tpu.dma_semaphore, #tpu.memory_space<semaphore_mem>>)
    %dma_wait3A_145 = arith.constant 0 : i32
    %dma_wait3A_146 = tpu.memref_slice %arg4[%add3A_107, %dma_wait3A_145] : memref<51200x128xf32, #tpu.memory_space<hbm>> -> memref<200x128xf32, #tpu.memory_space<hbm>>
    %dma_wait3A_147 = arith.constant 0 : i32
    %dma_wait3A_148 = tpu.memref_slice %arg4[%add3A_107, %dma_wait3A_147] : memref<51200x128xf32, #tpu.memory_space<hbm>> -> memref<200x128xf32, #tpu.memory_space<hbm>>
    tpu.wait_dma2 semaphore(%arg10 : memref<!tpu.dma_semaphore, #tpu.memory_space<semaphore_mem>>) src(%arg6 : memref<200x128xf32, #tpu.memory_space<vmem>>) dst(%dma_wait3A_148 : memref<200x128xf32, #tpu.memory_space<hbm>>)
    %dma_wait3A_149 = arith.constant 0 : i32
    %dma_wait3A_150 = tpu.memref_slice %arg4[%add3A_118, %dma_wait3A_149] : memref<51200x128xf32, #tpu.memory_space<hbm>> -> memref<200x128xf32, #tpu.memory_space<hbm>>
    %dma_wait3A_151 = arith.constant 0 : i32
    %dma_wait3A_152 = tpu.memref_slice %arg4[%add3A_118, %dma_wait3A_151] : memref<51200x128xf32, #tpu.memory_space<hbm>> -> memref<200x128xf32, #tpu.memory_space<hbm>>
    tpu.wait_dma2 semaphore(%arg11 : memref<!tpu.dma_semaphore, #tpu.memory_space<semaphore_mem>>) src(%arg7 : memref<200x128xf32, #tpu.memory_space<vmem>>) dst(%dma_wait3A_152 : memref<200x128xf32, #tpu.memory_space<hbm>>)
    %dma_wait3A_153 = arith.constant 0 : i32
    %dma_wait3A_154 = tpu.memref_slice %arg4[%add3A_129, %dma_wait3A_153] : memref<51200x128xf32, #tpu.memory_space<hbm>> -> memref<200x128xf32, #tpu.memory_space<hbm>>
    %dma_wait3A_155 = arith.constant 0 : i32
    %dma_wait3A_156 = tpu.memref_slice %arg4[%add3A_129, %dma_wait3A_155] : memref<51200x128xf32, #tpu.memory_space<hbm>> -> memref<200x128xf32, #tpu.memory_space<hbm>>
    tpu.wait_dma2 semaphore(%arg12 : memref<!tpu.dma_semaphore, #tpu.memory_space<semaphore_mem>>) src(%arg8 : memref<200x128xf32, #tpu.memory_space<vmem>>) dst(%dma_wait3A_156 : memref<200x128xf32, #tpu.memory_space<hbm>>)
    %dma_wait3A_157 = arith.constant 0 : i32
    %dma_wait3A_158 = tpu.memref_slice %arg4[%add3A_140, %dma_wait3A_157] : memref<51200x128xf32, #tpu.memory_space<hbm>> -> memref<200x128xf32, #tpu.memory_space<hbm>>
    %dma_wait3A_159 = arith.constant 0 : i32
    %dma_wait3A_160 = tpu.memref_slice %arg4[%add3A_140, %dma_wait3A_159] : memref<51200x128xf32, #tpu.memory_space<hbm>> -> memref<200x128xf32, #tpu.memory_space<hbm>>
    tpu.wait_dma2 semaphore(%arg13 : memref<!tpu.dma_semaphore, #tpu.memory_space<semaphore_mem>>) src(%arg9 : memref<200x128xf32, #tpu.memory_space<vmem>>) dst(%dma_wait3A_160 : memref<200x128xf32, #tpu.memory_space<hbm>>)
    return
  }
}

</mosaic_0001>

<sc_bundles>
// kernel: kernel.3.cloned.1.call-start
scs
__scs_entry_jumppad:
0x0: {  	(pc) =	sbr.rel $0x88, $3  }
0x1: {  	(tag) =	ssettag $0x0;
	lr =	simm.s32 $0x1  }
0x2: {  	[smem:$0x3F9F] =	sst lr;
	_ =	strace $0xD0000000  }
0x3: {  	_ = 	snop  }
0x4: {  	_ = 	snop  }
0x5: {  	_ = 	snop  }
0x6: {  	_ = 	snop  }
0x7: {  	_ = 	snop  }
__scs_overlays_trampoline_lowered:
0x8: {  	[smem:$0x3FAE] =	sst s0  }
0x9: {  	[smem:$0x3FAF] =	sst s1  }
0xa: {  	[smem:$0x3FB0] =	sst s2  }
0xb: {  	[smem:$0x3FB1] =	sst s3  }
0xc: {  	[smem:$0x3FB2] =	sst s4  }
0xd: {  	[smem:$0x3FB3] =	sst s5  }
0xe: {  	[smem:$0x3FB4] =	sst s6  }
0xf: {  	[smem:$0x3FB5] =	sst s7  }
0x10: {  	[smem:$0x3FB6] =	sst s8  }
0x11: {  	[smem:$0x3FB7] =	sst s9;
	s0 =	simm.s32 @!p0 $0x0  }
0x12: {  	s1 =	sld [smem:$0x3F9D];
	s0 =	simm.s32 @p0 $0x1  }
0x13: {  	[smem:$0x3FB8] =	sst s0;
	s0 =	simm.s32 @!p1 $0x0  }
0x14: {  	s2 =	sld [smem:$0x3F9C];
	s0 =	simm.s32 @p1 $0x1  }
0x15: {  	[smem:$0x3FB9] =	sst s0;
	s0 =	simm.s32 @!p2 $0x0  }
0x16: {  	s3 =	sld [smem:$0x3FDB];
	s0 =	simm.s32 @p2 $0x1  }
0x17: {  	s4 =	simm.s32 $0x1BF5;
	[smem:$0x3FBB] =	sst s0  }
0x18: {  	s0 =	sld [smem:$0x3F9E];
	_ =	swait.ge [sflag:s4], $0x0  }
0x19: {  	s7 =	sld [smem:$0x3F9F]  }
0x1a: {  	s8 =	sadd.s32 $0xFFFFE003, lr  }
0x1b: {  	s9 =	sadd.s32 $0xFFFFFEF7, lr;
	s5 =	simm.s32 $0xFFFFFFFF;
	p2 =	slt.u32 s8, $0xFFFFF086  }
0x1c: {  	p1 =	slt.u32 s9, $0xF7A;
	s5 =	simm.s32 @!p2 $0x0  }
0x1d: {  	s5 =	simm.s32 @p1 $0x1;
	p0 =	seq.s32 s7, s2  }
0x1e: {  	s7 =	smul.u32 @!p0 $0xF7A, s2;
	p2 =	seq.s32 @!p0 s5, $0x0  }
0x1f: {  	s9 =	smul.u32 $0xF7A, s1;
	s8 =	simm.s32 @!p0 $0x1BF5;
	p2 =	por !p2, p0  }
0x20: {  	[sflag:s8] =	ssyncset.s32 @!p0 $0xFFFFF086;
	s6 =	sadd.s32 @!p0 s3, s7;
	s7 =	simm.s32 @!p0 $0x108  }
0x21: {  	s3 =	sadd.s32 s3, s9;
	s6 =	sadd.s32 @!p0 $0x88, s6;
	s7 =	simm.s32 @p2 $0x1082  }
0x22: {  	[simem:s7], [sflag:s8] =	dma.local @!p0 [hbm:s6], $0xF7A  }
0x23: {  	s9 =	sor.u32 $0xD0000000, s2;
	s6 =	simm.s32 $0x108;
	_ =	swait.ge @!p0 [sflag:s8], $0x0  }
0x24: {  	s3 =	sadd.s32 $0x88, s3;
	s6 =	simm.s32 @!p1 $0x1082;
	[sflag:s4] =	ssyncset.s32 $0xFFFFF086  }
0x25: {  	[simem:s6], [sflag:s4] =	dma.local [hbm:s3], $0xF7A  }
0x26: {  	[smem:$0x3F9F] =	sst s1;
	(tag) =	ssettag s2;
	_ =	strace s9  }
0x27: {  	s1 =	sld [smem:$0x3FAF]  }
0x28: {  	s2 =	sld [smem:$0x3FB0]  }
0x29: {  	s4 =	sld [smem:$0x3FB2]  }
0x2a: {  	p0 =	seq.s32 s5, $0x0;
	s5 =	sld [smem:$0x3FB3]  }
0x2b: {  	s6 =	sld [smem:$0x3FB4]  }
0x2c: {  	s7 =	sld [smem:$0x3FB5]  }
0x2d: {  	s3 =	simm.s32 $0x108;
	s8 =	sld [smem:$0x3FB6]  }
0x2e: {  	s3 =	simm.s32 @!p0 $0x1082;
	s9 =	sld [smem:$0x3FB7]  }
0x2f: {  	lr =	sadd.s32 s0, s3;
	s0 =	sld [smem:$0x3FAE]  }
0x30: {  	s3 =	sld [smem:$0x3FB1]  }
0x31: {  	[smem:$0x3FBA] =	sst s10  }
0x32: {  	s10 =	sld [smem:$0x3FB8];
	_ =	sdelay $0x3  }
0x33: {  	p0 =	seq.s32 s10, $0x1;
	s10 =	sld [smem:$0x3FBA];
	_ =	sdelay $0x3  }
0x34: {  	[smem:$0x3FBA] =	sst s10  }
0x35: {  	s10 =	sld [smem:$0x3FB9];
	_ =	sdelay $0x3  }
0x36: {  	p1 =	seq.s32 s10, $0x1;
	s10 =	sld [smem:$0x3FBA];
	_ =	sdelay $0x3  }
0x37: {  	[smem:$0x3FBA] =	sst s10  }
0x38: {  	s10 =	sld [smem:$0x3FBB]  }
0x39: {  	_ = 	snop;
	(pc) =	sbr.ind lr, $3  }
0x3a: {  	_ = 	snop  }
0x3b: {  	_ = 	snop  }
0x3c: {  	p2 =	seq.s32 s10, $0x1;
	s10 =	sld [smem:$0x3FBA]  }
0x3d: {  	_ =	shalt  }
0x3e: {  	_ =	shalt  }
0x3f: {  	_ =	shalt  }
0x40: {  	_ =	shalt  }
0x41: {  	_ =	shalt  }
0x42: {  	_ =	shalt  }
0x43: {  	_ =	shalt  }
0x44: {  	_ =	shalt  }
0x45: {  	_ =	shalt  }
0x46: {  	_ =	shalt  }
0x47: {  	_ =	shalt  }
0x48: {  	_ =	shalt  }
0x49: {  	_ =	shalt  }
0x4a: {  	_ =	shalt  }
0x4b: {  	_ =	shalt  }
0x4c: {  	_ =	shalt  }
0x4d: {  	_ =	shalt  }
0x4e: {  	_ =	shalt  }
0x4f: {  	_ =	shalt  }
0x50: {  	_ =	shalt  }
0x51: {  	_ =	shalt  }
0x52: {  	_ =	shalt  }
0x53: {  	_ =	shalt  }
0x54: {  	_ =	shalt  }
0x55: {  	_ =	shalt  }
0x56: {  	_ =	shalt  }
0x57: {  	_ =	shalt  }
0x58: {  	_ =	shalt  }
0x59: {  	_ =	shalt  }
0x5a: {  	_ =	shalt  }
0x5b: {  	_ =	shalt  }
0x5c: {  	_ =	shalt  }
0x5d: {  	_ =	shalt  }
0x5e: {  	_ =	shalt  }
0x5f: {  	_ =	shalt  }
0x60: {  	_ =	shalt  }
0x61: {  	_ =	shalt  }
0x62: {  	_ =	shalt  }
0x63: {  	_ =	shalt  }
0x64: {  	_ =	shalt  }
0x65: {  	_ =	shalt  }
0x66: {  	_ =	shalt  }
0x67: {  	_ =	shalt  }
0x68: {  	_ =	shalt  }
0x69: {  	_ =	shalt  }
0x6a: {  	_ =	shalt  }
0x6b: {  	_ =	shalt  }
0x6c: {  	_ =	shalt  }
0x6d: {  	_ =	shalt  }
0x6e: {  	_ =	shalt  }
0x6f: {  	_ =	shalt  }
0x70: {  	_ =	shalt  }
0x71: {  	_ =	shalt  }
0x72: {  	_ =	shalt  }
0x73: {  	_ =	shalt  }
0x74: {  	_ =	shalt  }
0x75: {  	_ =	shalt  }
0x76: {  	_ =	shalt  }
0x77: {  	_ =	shalt  }
0x78: {  	_ =	shalt  }
0x79: {  	_ =	shalt  }
0x7a: {  	_ =	shalt  }
0x7b: {  	_ =	shalt  }
0x7c: {  	_ =	shalt  }
0x7d: {  	_ =	shalt  }
0x7e: {  	_ =	shalt  }
0x7f: {  	_ =	shalt  }
0x80: {  	_ =	shalt  }
0x81: {  	_ =	shalt  }
0x82: {  	_ =	shalt  }
0x83: {  	_ =	shalt  }
0x84: {  	_ =	shalt  }
0x85: {  	_ =	shalt  }
0x86: {  	_ =	shalt  }
0x87: {  	_ =	shalt  }
.Lfunc_end0:
.L_simem_size_0:
called_computation_lowered:
.L_overlay_start_0:
0x88: {  	s2 =	sld [smem:$0x3FD9]  }
0x89: {  	s3 =	sld [smem:$0x3FFE];
	_ =	sdelay $0x1  }
0x8a: {  	s1 =	srdreg.scid  }
0x8b: {  	s0 =	sand.u32 $0x1, s1  }
0x8c: {  	s17 =	sshll.u32 s0, $0xA;
	s2 =	sadd.s32 s3, s2  }
0x8d: {  	s2 =	sadd.s32 s2, s17  }
0x8e: {  	[smem:$0x3FC6] =	sst s2  }
0x8f: {  	_ = 	snop  }
0x90: {  	s2 =	sld [smem:$0x3FC8]  }
0x91: {  	s18 =	sld [smem:$0x3FD0];
	(tm) =	ssettm $0x1  }
0x92: {  	s4 =	sld [smem:$0x3FFB];
	_ =	sdelay $0x3  }
0x93: {  	_ =	strace s4  }
0x94: {  	s4 =	sld [smem:$0x3FFC];
	_ =	sdelay $0x3  }
0x95: {  	_ =	strace s4  }
0x96: {  	s4 =	sld [smem:$0x3FFD];
	_ =	sdelay $0x3  }
0x97: {  	_ =	strace s4  }
0x98: {  	_ =	strace $0x8FFFFFFF  }
0x99: {  	s19 =	sld [smem:$0x3FDB];
	_ =	sdelay $0x1  }
0x9a: {  	s5 =	simm.s32 $_scs_section_size  }
0x9b: {  	s6 =	simm.s32 $_size__tile_overlayer_lowered;
	s7 =	simm.s32 $_tile_overlayer_lowered  }
0x9c: {  	s22 =	simm.s32 $0x1BFF;
	s21 =	sshll.u32 s7, $0x1;
	s4 =	sadd.s32 s5, s19  }
0x9d: {  	s8 =	simm.s32 $0x0;
	s20 =	sshll.u32 s6, $0x1;
	s6 =	sadd.s32 s21, s4  }
0x9e: {  	[timem:s8], [sflag:s22] =	dma.local [hbm:s6], s20  }
0x9f: {  	_ =	swait.ge [sflag:s22], s20  }
0xa0: {  	s5 =	ssub.s32 $0x0, s20;
	[sflag:s22] =	ssyncset.done $0x0  }
0xa1: {  	[sflag:s22] =	ssyncadd.s32 s5;
	_ =	sdelay $0x1  }
0xa2: {  	s23 =	simm.s32 $0x1B8B  }
0xa3: {  	_ =	swait.ge [sflag:s23], $0x1  }
0xa4: {  	[sflag:s23] =	ssyncset.done $0x0  }
0xa5: {  	s25 =	simm.s32 $0x1B8E;
	s24 =	sld [smem:$0x3FFE];
	[sflag:s23] =	ssyncadd.s32 $0xFFFFFFFF  }
0xa6: {  	s26 =	simm.s32 $execute0_lowered;
	[smem:$0x3FD2] =	sst s25  }
0xa7: {  	s6 =	sshll.u32 s26, $0x1;
	_ =	strace $0x80000046;
	[dreg:$0x1] =	wrdreg $0xFFFFFFFF  }
0xa8: {  	s28 =	simm.s32 $_size_execute0_lowered;
	s4 =	sadd.s32 s4, s6;
	[dreg:$0x0] =	wrdreg $0x0  }
0xa9: {  	s6 =	sshll.u32 s28, $0x1;
	[dreg:$0x2] =	wrdreg s4  }
0xaa: {  	[dreg:$0x3] =	wrdreg s6  }
0xab: {  	[dreg:$0x4] =	wrdreg $0xC0  }
0xac: {  	_ =	task [dreg:s8], $0x5FFFF  }
0xad: {  	[dreg:$0x1] =	wrdreg $0xFFFFFFFF  }
0xae: {  	[dreg:$0x0] =	wrdreg $0x60  }
0xaf: {  	[dreg:$0x2] =	wrdreg s24  }
0xb0: {  	[dreg:$0x3] =	wrdreg s2  }
0xb1: {  	[dreg:$0x4] =	wrdreg s18  }
0xb2: {  	[dreg:$0x5] =	wrdreg $0x9  }
0xb3: {  	_ =	task.clear_ibuf [dreg:s8], $0x6FFFF;
	_ =	strace $0x90000046  }
0xb4: {  	s29 =	simm.s32 $0x9;
	_ =	strace $0x80000048  }
0xb5: {  	_ =	swait.ge [sflag:s29], $0x1  }
0xb6: {  	[sflag:s29] =	ssyncadd.s32 $0xFFFFFFFF  }
0xb7: {  	_ =	strace $0x90000048  }
0xb8: {  	_ =	sfence  }
0xb9: {  	s30 =	sld [smem:$0x0];
	_ =	sdelay $0x2  }
0xba: {  	s31 =	sshll.u32 s1, $0xD;
	s1 =	sshrl.u32 s1, $0x2  }
0xbb: {  	s3 =	sand.u32 $0x4000, s31;
	s1 =	sadd.s32 s1, s30  }
0xbc: {  	s0 =	sor.u32 s3, s0;
	s1 =	sshll.u32 s1, $0x11  }
0xbd: {  	s0 =	sor.u32 s1, s0  }
0xbe: {  	s0 =	sadd.s32 $0x8F2B, s0  }
0xbf: {  	[sflag:s0] =	ssyncadd.remote.s32 $0x1  }
0xc0: {  	_ =	sfence.sel $0xFFFF  }
0xc1: {  	[dreg:$0x0] =	wrdreg $0xFFFFFFFF;
	(pc) =	sbr.abs _section_cstart, $3  }
0xc2: {  	[dreg:$0x1] =	wrdreg $0xFFFFFFFF  }
0xc3: {  	_ =	task.clear_ibuf [dreg:s8], $0x2FFFF;
	_ =	strace $0x9FFFFFFF  }
0xc4: {  	(tm) =	ssettm $0x7FFFFFFF  }
0xc5: {  	_ =	shalt  }
tec
execute0_lowered:
.L_overlay_start_1:
0x0: {  	(tag) =	ssettag $0x1  }
0x1: {  	s1 =	srdreg.scid;
	s0 =	stileid.u32  }
0x2: {  	s4 =	rddreg [dreg:$0x0];
	s30 =	sand.u32 $0x1, s1;
	s31 =	sshll.u32 s0, $0x1  }
0x3: {  	s2 =	rddreg [dreg:$0x1];
	s15 =	sor.u32 s30, s31  }
0x4: {  	s17 =	rddreg [dreg:$0x2];
	s5 =	smul.u32 $0xC8, s15  }
0x5: {  	s3 =	simm.s32 $0x0;
	s1 =	rddreg [dreg:$0x3]  }
0x6: {  	[smem:$0x7FF] =	sst s3;
	s4 =	sadd.s32 s5, s4  }
0x7: {  	_ =	strace $0x80000047;
	s5 =	simm.s32 $0x5;
	s4 =	sadd.s32 $0x400, s4  }
0x8: {  	[tilespmem:s3], [sflag:$0x5] =	stream.linear.gather [hbm4b:s4+s3], $0x640, $0x38;
	[tilespmem:$0x19680] =	vst v63  }
0x9: {  	_ =	swait.ge [sflag:s5], $0x640  }
0xa: {  	[sflag:s5] =	ssyncset.done $0x0  }
0xb: {  	s6 =	simm.s32 $0xC8;
	s7 =	simm.s32 $0x680;
	[sflag:s5] =	ssyncadd.s32 $0xFFFFF9C0  }
0xc: {  	[tilespmem:s7], [sflag:$0x1] =	stream.indirect.gather [hbm4b:s2+s6], $0x80, s3, s6, $0xb8;
	[tilespmem:$0x19680] =	vst v63  }
0xd: {  	s8 =	simm.s32 $0x6A80  }
0xe: {  	[tilespmem:s8], [sflag:$0x2] =	stream.indirect.gather [hbm4b:s2+s6], $0x80, s6, s6, $0xb8;
	[tilespmem:$0x19680] =	vst v63  }
0xf: {  	s9 =	simm.s32 $0x190;
	s10 =	simm.s32 $0xCE80  }
0x10: {  	[tilespmem:s10], [sflag:$0x3] =	stream.indirect.gather [hbm4b:s2+s6], $0x80, s9, s6, $0xb8;
	[tilespmem:$0x19680] =	vst v63  }
0x11: {  	s11 =	simm.s32 $0x258;
	s12 =	simm.s32 $0x13280;
	s13 =	simm.s32 $0x1  }
0x12: {  	[tilespmem:s12], [sflag:$0x4] =	stream.indirect.gather [hbm4b:s2+s6], $0x80, s11, s6, $0xb8;
	[tilespmem:$0x19680] =	vst v63  }
0x13: {  	s14 =	smul.u32 $0x6400, s15;
	_ =	swait.ge [sflag:s13], $0x6400  }
0x14: {  	[sflag:s13] =	ssyncset.done $0x0  }
0x15: {  	s14 =	sadd.s32 s17, s14;
	[sflag:s13] =	ssyncadd.s32 $0xFFFF9C00  }
0x16: {  	[hbm4b:s14+s3] =	stream.linear.scatter [tilespmem:s7], [sflag:$0x1], $0x6400, $0x38;
	[tilespmem:$0x19680] =	vst v63  }
0x17: {  	_ =	swait.ge [sflag:s13], $0x6400  }
0x18: {  	s16 =	simm.s32 $0x2;
	[sflag:s13] =	ssyncset.done $0x0  }
0x19: {  	s18 =	smul.u32 $0x32000, s15;
	s15 =	simm.s32 $0x320;
	[sflag:s13] =	ssyncadd.s32 $0xFFFF9C00  }
0x1a: {  	[tilespmem:s7], [sflag:$0x1] =	stream.indirect.gather [hbm4b:s2+s6], $0x80, s15, s6, $0xb8;
	[tilespmem:$0x19680] =	vst v63  }
0x1b: {  	s18 =	sshrl.u32 s18, $0x3;
	_ =	swait.ge [sflag:s16], $0x6400  }
0x1c: {  	s29 =	sadd.s32 s17, s18;
	[sflag:s16] =	ssyncset.done $0x0  }
0x1d: {  	s17 =	sadd.s32 $0xC80, s29;
	[sflag:s16] =	ssyncadd.s32 $0xFFFF9C00  }
0x1e: {  	[hbm4b:s17+s3] =	stream.linear.scatter [tilespmem:s8], [sflag:$0x2], $0x6400, $0x38;
	[tilespmem:$0x19680] =	vst v63  }
0x1f: {  	_ =	swait.ge [sflag:s16], $0x6400  }
0x20: {  	[sflag:s16] =	ssyncset.done $0x0  }
0x21: {  	s19 =	simm.s32 $0x3;
	s18 =	simm.s32 $0x3E8;
	[sflag:s16] =	ssyncadd.s32 $0xFFFF9C00  }
0x22: {  	[tilespmem:s8], [sflag:$0x2] =	stream.indirect.gather [hbm4b:s2+s6], $0x80, s18, s6, $0xb8;
	[tilespmem:$0x19680] =	vst v63  }
0x23: {  	_ =	swait.ge [sflag:s19], $0x6400  }
0x24: {  	[sflag:s19] =	ssyncset.done $0x0  }
0x25: {  	s20 =	sadd.s32 $0x1900, s29;
	[sflag:s19] =	ssyncadd.s32 $0xFFFF9C00  }
0x26: {  	[hbm4b:s20+s3] =	stream.linear.scatter [tilespmem:s10], [sflag:$0x3], $0x6400, $0x38;
	[tilespmem:$0x19680] =	vst v63  }
0x27: {  	_ =	swait.ge [sflag:s19], $0x6400  }
0x28: {  	[sflag:s19] =	ssyncset.done $0x0  }
0x29: {  	s22 =	simm.s32 $0x4B0;
	s21 =	simm.s32 $0x4;
	[sflag:s19] =	ssyncadd.s32 $0xFFFF9C00  }
0x2a: {  	[tilespmem:s10], [sflag:$0x3] =	stream.indirect.gather [hbm4b:s2+s6], $0x80, s22, s6, $0xb8;
	[tilespmem:$0x19680] =	vst v63  }
0x2b: {  	_ =	swait.ge [sflag:s21], $0x6400  }
0x2c: {  	[sflag:s21] =	ssyncset.done $0x0  }
0x2d: {  	s23 =	sadd.s32 $0x2580, s29;
	[sflag:s21] =	ssyncadd.s32 $0xFFFF9C00  }
0x2e: {  	[hbm4b:s23+s3] =	stream.linear.scatter [tilespmem:s12], [sflag:$0x4], $0x6400, $0x38;
	[tilespmem:$0x19680] =	vst v63  }
0x2f: {  	_ =	swait.ge [sflag:s21], $0x6400  }
0x30: {  	[sflag:s21] =	ssyncset.done $0x0  }
0x31: {  	s24 =	simm.s32 $0x578;
	[sflag:s21] =	ssyncadd.s32 $0xFFFF9C00  }
0x32: {  	[tilespmem:s12], [sflag:$0x4] =	stream.indirect.gather [hbm4b:s2+s6], $0x80, s24, s6, $0xb8;
	[tilespmem:$0x19680] =	vst v63  }
0x33: {  	_ =	swait.ge [sflag:s13], $0x6400  }
0x34: {  	[sflag:s13] =	ssyncset.done $0x0  }
0x35: {  	s25 =	sadd.s32 $0x3200, s29;
	[sflag:s13] =	ssyncadd.s32 $0xFFFF9C00  }
0x36: {  	[hbm4b:s25+s3] =	stream.linear.scatter [tilespmem:s7], [sflag:$0x1], $0x6400, $0x38;
	[tilespmem:$0x19680] =	vst v63  }
0x37: {  	_ =	swait.ge [sflag:s16], $0x6400  }
0x38: {  	[sflag:s16] =	ssyncset.done $0x0  }
0x39: {  	s26 =	sadd.s32 $0x3E80, s29;
	[sflag:s16] =	ssyncadd.s32 $0xFFFF9C00  }
0x3a: {  	[hbm4b:s26+s3] =	stream.linear.scatter [tilespmem:s8], [sflag:$0x2], $0x6400, $0x38;
	[tilespmem:$0x19680] =	vst v63  }
0x3b: {  	_ =	swait.ge [sflag:s19], $0x6400  }
0x3c: {  	[sflag:s19] =	ssyncset.done $0x0  }
0x3d: {  	s28 =	sadd.s32 $0x4B00, s29;
	[sflag:s19] =	ssyncadd.s32 $0xFFFF9C00  }
0x3e: {  	[hbm4b:s28+s3] =	stream.linear.scatter [tilespmem:s10], [sflag:$0x3], $0x6400, $0x38;
	[tilespmem:$0x19680] =	vst v63  }
0x3f: {  	_ =	swait.ge [sflag:s21], $0x6400  }
0x40: {  	[sflag:s21] =	ssyncset.done $0x0  }
0x41: {  	s29 =	sadd.s32 $0x5780, s29;
	[sflag:s21] =	ssyncadd.s32 $0xFFFF9C00  }
0x42: {  	[hbm4b:s29+s3] =	stream.linear.scatter [tilespmem:s12], [sflag:$0x4], $0x6400, $0x38;
	[tilespmem:$0x19680] =	vst v63  }
0x43: {  	_ =	swait.ge [sflag:s13], $0x6400  }
0x44: {  	s30 =	ssub.s32 $0x2, s30;
	[sflag:s13] =	ssyncset.done $0x0  }
0x45: {  	s31 =	sshrl.u32 s30, $0x1;
	[sflag:s13] =	ssyncadd.s32 $0xFFFF9C00  }
0x46: {  	s30 =	ssub.s32 s30, s31;
	_ =	swait.ge [sflag:s16], $0x6400  }
0x47: {  	s30 =	smax.u32 s30, $0x1;
	[sflag:s16] =	ssyncset.done $0x0  }
0x48: {  	p0 =	sne.s32 s30, $0x1;
	[sflag:s16] =	ssyncadd.s32 $0xFFFF9C00  }
.Ltmp0:
0x49: {  	_ =	swait.ge [sflag:s19], $0x6400;
	(pc) =	sbr.rel @!p0 .LBB2_2-.Ltmp0, $4  }
0x4a: {  	[sflag:s19] =	ssyncset.done $0x0  }
0x4b: {  	[sflag:s19] =	ssyncadd.s32 $0xFFFF9C00  }
0x4c: {  	_ =	swait.ge [sflag:s21], $0x6400  }
0x4d: {  	s30 =	sadd.s32 $0xFFFFFFFF, s30;
	[sflag:s21] =	ssyncset.done $0x0  }
.LBB2_1:
0x4e: {  	p0 =	sne.s32 s30, $0x1;
	s30 =	sadd.s32 $0xFFFFFFFF, s30;
	[sflag:s21] =	ssyncadd.s32 $0xFFFF9C00  }
0x4f: {  	[tilespmem:s3], [sflag:$0x5] =	stream.linear.gather [hbm4b:s4+s3], $0x640, $0x38;
	[tilespmem:$0x19680] =	vst v63  }
0x50: {  	_ =	swait.ge [sflag:s5], $0x640  }
0x51: {  	[sflag:s5] =	ssyncset.done $0x0  }
0x52: {  	[sflag:s5] =	ssyncadd.s32 $0xFFFFF9C0  }
0x53: {  	[tilespmem:s7], [sflag:$0x1] =	stream.indirect.gather [hbm4b:s2+s6], $0x80, s3, s6, $0xb8;
	[tilespmem:$0x19680] =	vst v63  }
0x54: {  	_ = 	snop  }
0x55: {  	[tilespmem:s8], [sflag:$0x2] =	stream.indirect.gather [hbm4b:s2+s6], $0x80, s6, s6, $0xb8;
	[tilespmem:$0x19680] =	vst v63  }
0x56: {  	_ = 	snop  }
0x57: {  	[tilespmem:s10], [sflag:$0x3] =	stream.indirect.gather [hbm4b:s2+s6], $0x80, s9, s6, $0xb8;
	[tilespmem:$0x19680] =	vst v63  }
0x58: {  	_ = 	snop  }
0x59: {  	[tilespmem:s12], [sflag:$0x4] =	stream.indirect.gather [hbm4b:s2+s6], $0x80, s11, s6, $0xb8;
	[tilespmem:$0x19680] =	vst v63  }
0x5a: {  	_ =	swait.ge [sflag:s13], $0x6400  }
0x5b: {  	[sflag:s13] =	ssyncset.done $0x0  }
0x5c: {  	[sflag:s13] =	ssyncadd.s32 $0xFFFF9C00  }
0x5d: {  	[hbm4b:s14+s3] =	stream.linear.scatter [tilespmem:s7], [sflag:$0x1], $0x6400, $0x38;
	[tilespmem:$0x19680] =	vst v63  }
0x5e: {  	_ =	swait.ge [sflag:s13], $0x6400  }
0x5f: {  	[sflag:s13] =	ssyncset.done $0x0  }
0x60: {  	[sflag:s13] =	ssyncadd.s32 $0xFFFF9C00  }
0x61: {  	[tilespmem:s7], [sflag:$0x1] =	stream.indirect.gather [hbm4b:s2+s6], $0x80, s15, s6, $0xb8;
	[tilespmem:$0x19680] =	vst v63  }
0x62: {  	_ =	swait.ge [sflag:s16], $0x6400  }
0x63: {  	[sflag:s16] =	ssyncset.done $0x0  }
0x64: {  	[sflag:s16] =	ssyncadd.s32 $0xFFFF9C00  }
0x65: {  	[hbm4b:s17+s3] =	stream.linear.scatter [tilespmem:s8], [sflag:$0x2], $0x6400, $0x38;
	[tilespmem:$0x19680] =	vst v63  }
0x66: {  	_ =	swait.ge [sflag:s16], $0x6400  }
0x67: {  	[sflag:s16] =	ssyncset.done $0x0  }
0x68: {  	[sflag:s16] =	ssyncadd.s32 $0xFFFF9C00  }
0x69: {  	[tilespmem:s8], [sflag:$0x2] =	stream.indirect.gather [hbm4b:s2+s6], $0x80, s18, s6, $0xb8;
	[tilespmem:$0x19680] =	vst v63  }
0x6a: {  	_ =	swait.ge [sflag:s19], $0x6400  }
0x6b: {  	[sflag:s19] =	ssyncset.done $0x0  }
0x6c: {  	[sflag:s19] =	ssyncadd.s32 $0xFFFF9C00  }
0x6d: {  	[hbm4b:s20+s3] =	stream.linear.scatter [tilespmem:s10], [sflag:$0x3], $0x6400, $0x38;
	[tilespmem:$0x19680] =	vst v63  }
0x6e: {  	_ =	swait.ge [sflag:s19], $0x6400  }
0x6f: {  	[sflag:s19] =	ssyncset.done $0x0  }
0x70: {  	[sflag:s19] =	ssyncadd.s32 $0xFFFF9C00  }
0x71: {  	[tilespmem:s10], [sflag:$0x3] =	stream.indirect.gather [hbm4b:s2+s6], $0x80, s22, s6, $0xb8;
	[tilespmem:$0x19680] =	vst v63  }
0x72: {  	_ =	swait.ge [sflag:s21], $0x6400  }
0x73: {  	[sflag:s21] =	ssyncset.done $0x0  }
0x74: {  	[sflag:s21] =	ssyncadd.s32 $0xFFFF9C00  }
0x75: {  	[hbm4b:s23+s3] =	stream.linear.scatter [tilespmem:s12], [sflag:$0x4], $0x6400, $0x38;
	[tilespmem:$0x19680] =	vst v63  }
0x76: {  	_ =	swait.ge [sflag:s21], $0x6400  }
0x77: {  	[sflag:s21] =	ssyncset.done $0x0  }
0x78: {  	[sflag:s21] =	ssyncadd.s32 $0xFFFF9C00  }
0x79: {  	[tilespmem:s12], [sflag:$0x4] =	stream.indirect.gather [hbm4b:s2+s6], $0x80, s24, s6, $0xb8;
	[tilespmem:$0x19680] =	vst v63  }
0x7a: {  	_ =	swait.ge [sflag:s13], $0x6400  }
0x7b: {  	[sflag:s13] =	ssyncset.done $0x0  }
0x7c: {  	[sflag:s13] =	ssyncadd.s32 $0xFFFF9C00  }
0x7d: {  	[hbm4b:s25+s3] =	stream.linear.scatter [tilespmem:s7], [sflag:$0x1], $0x6400, $0x38;
	[tilespmem:$0x19680] =	vst v63  }
0x7e: {  	_ =	swait.ge [sflag:s16], $0x6400  }
0x7f: {  	[sflag:s16] =	ssyncset.done $0x0  }
0x80: {  	[sflag:s16] =	ssyncadd.s32 $0xFFFF9C00  }
0x81: {  	[hbm4b:s26+s3] =	stream.linear.scatter [tilespmem:s8], [sflag:$0x2], $0x6400, $0x38;
	[tilespmem:$0x19680] =	vst v63  }
0x82: {  	_ =	swait.ge [sflag:s19], $0x6400  }
0x83: {  	[sflag:s19] =	ssyncset.done $0x0  }
0x84: {  	[sflag:s19] =	ssyncadd.s32 $0xFFFF9C00  }
0x85: {  	[hbm4b:s28+s3] =	stream.linear.scatter [tilespmem:s10], [sflag:$0x3], $0x6400, $0x38;
	[tilespmem:$0x19680] =	vst v63  }
0x86: {  	_ =	swait.ge [sflag:s21], $0x6400  }
0x87: {  	[sflag:s21] =	ssyncset.done $0x0  }
0x88: {  	[sflag:s21] =	ssyncadd.s32 $0xFFFF9C00  }
0x89: {  	[hbm4b:s29+s3] =	stream.linear.scatter [tilespmem:s12], [sflag:$0x4], $0x6400, $0x38;
	[tilespmem:$0x19680] =	vst v63  }
0x8a: {  	_ =	swait.ge [sflag:s13], $0x6400  }
0x8b: {  	[sflag:s13] =	ssyncset.done $0x0  }
0x8c: {  	[sflag:s13] =	ssyncadd.s32 $0xFFFF9C00  }
0x8d: {  	_ =	swait.ge [sflag:s16], $0x6400  }
0x8e: {  	[sflag:s16] =	ssyncset.done $0x0  }
0x8f: {  	[sflag:s16] =	ssyncadd.s32 $0xFFFF9C00  }
.Ltmp1:
0x90: {  	_ =	swait.ge [sflag:s19], $0x6400;
	(pc) =	sbr.rel @p0 .LBB2_1-.Ltmp1, $4  }
0x91: {  	[sflag:s19] =	ssyncset.done $0x0  }
0x92: {  	[sflag:s19] =	ssyncadd.s32 $0xFFFF9C00  }
0x93: {  	_ =	swait.ge [sflag:s21], $0x6400  }
0x94: {  	[sflag:s21] =	ssyncset.done $0x0  }
.LBB2_2:
0x95: {  	[sflag:s21] =	ssyncadd.s32 $0xFFFF9C00  }
0x96: {  	_ =	sfence.sel $0x180000  }
0x97: {  	[bflag:$0x0] =	sbarrier.arrive $0xFFFF  }
0x98: {  	p0 =	sne.s32 s0, $0x0;
	_ =	strace $0x90000047  }
0x99: {  	s0 =	sadd.s32 @!p0 $0x100000, s1;
	[bflag:$0x2] =	sbarrier.arrive $0xFFFF  }
0x9a: {  	[sflag:s0] =	ssyncadd.tile.s32 @!p0 $0x1;
	_ =	shalt  }
.Lfunc_end2:
_tile_overlayer_lowered:
.L_overlay_start_2:
0x9b: {  	(tag) =	ssettag $0x2  }
0x9c: {  	s0 =	rddreg [dreg:$0x0];
	s2 =	stileid.u32  }
0x9d: {  	s1 =	rddreg [dreg:$0x1];
	p0 =	sne.s32 s2, $0x0  }
0x9e: {  	s3 =	rddreg [dreg:$0x2];
	[bflag:$0x3] =	sbarrier.arrive $0xFFFF;
	s2 =	simm.s32 @!p0 $0x1C05  }
0x9f: {  	[timem:s3], [sflag:s2] =	dma.local @!p0 [hbm:s0], s1  }
0xa0: {  	s0 =	simm.s32 @!p0 $0x5  }
0xa1: {  	_ =	swait.ge @!p0 [sflag:s0], s1  }
0xa2: {  	s1 =	ssub.s32 @!p0 $0x0, s1;
	[sflag:s0] =	ssyncset.done @!p0 $0x0  }
0xa3: {  	[sflag:s0] =	ssyncadd.s32 @!p0 s1  }
0xa4: {  	[bflag:$0x3] =	sbarrier.arrive $0xFFFF  }
0xa5: {  	_ =	shalt  }

</sc_bundles>
